<compile_context>
chip_gen: v7x
topology: tpu7x:2x2x1
jax: 0.10.2.dev20260603
libtpu: 0.0.44.dev20260713+nightly
codegen_flags: <defaults>
</compile_context>

<pallas_src>
import functools

import jax
import jax.numpy as jnp
from jax import lax
from jax.experimental import pallas as pl
from jax.experimental.pallas import tpu as pltpu
from jax.experimental.pallas import tpu_sc as plsc

VOCAB = 30522
D = 768
NCLS = 2
B = 4096
L = 200

BLK = 3072
VP = 30720
BIAS_COL = 30528

NC = 2
NS = 16
NW = NC * NS
SEQ_PER_W = B // NW
GROUPS = SEQ_PER_W // 16


def _tw_body(w_ref, tbl_ref, b_ref, out_ref):
    res = lax.dot_general(
        w_ref[...], tbl_ref[...],
        dimension_numbers=(((1,), (1,)), ((), ())),
        preferred_element_type=jnp.float32,
    )
    h0 = lax.bitcast_convert_type(
        res[0, :].astype(jnp.bfloat16), jnp.uint16).astype(jnp.uint32)
    h1 = lax.bitcast_convert_type(
        res[1, :].astype(jnp.bfloat16), jnp.uint16).astype(jnp.uint32)
    packed = lax.bitcast_convert_type(h0 | (h1 << 16), jnp.int32)

    @pl.when(pl.program_id(0) == BIAS_COL // BLK)
    def _():
        pos = lax.iota(jnp.int32, BLK)
        off = BIAS_COL % BLK
        bw0 = lax.bitcast_convert_type(b_ref[0, 0], jnp.int32)
        bw1 = lax.bitcast_convert_type(b_ref[1, 0], jnp.int32)
        out_ref[...] = jnp.where(
            pos == off, bw0, jnp.where(pos == off + 1, bw1, packed))

    @pl.when(pl.program_id(0) != BIAS_COL // BLK)
    def _():
        out_ref[...] = packed


def _compute_tw(table, W, b2):
    return pl.pallas_call(
        _tw_body,
        grid=(VP // BLK,),
        in_specs=[
            pl.BlockSpec((NCLS, D), lambda i: (0, 0)),
            pl.BlockSpec((BLK, D), lambda i: (i, 0)),
            pl.BlockSpec((NCLS, 1), lambda i: (0, 0)),
        ],
        out_specs=pl.BlockSpec((BLK,), lambda i: (i,)),
        out_shape=jax.ShapeDtypeStruct((VP,), jnp.int32),
    )(W, table, b2)


def _sc_kernel(twp_hbm, ids_hbm, out0_hbm, out1_hbm,
               twp_v, ids_v, out0_v, out1_v, twp_s, sem_a, sem_b):
    sid = lax.axis_index("s")
    wid = sid * NC + lax.axis_index("c")
    base = wid * SEQ_PER_W

    cp_ids = pltpu.async_copy(
        ids_hbm.at[:, pl.ds(base, SEQ_PER_W)], ids_v, sem_b)

    @pl.when(sid == 0)
    def _():
        pltpu.sync_copy(twp_hbm, twp_s)

    plsc.subcore_barrier()
    cp_tw = pltpu.async_copy(twp_s, twp_v, sem_a)
    cp_tw.wait()
    cp_ids.wait()

    zero = jnp.zeros((16,), jnp.float32)

    def body(t, accs):
        new = []
        for g in range(GROUPS):
            idx = ids_v[t, pl.ds(g * 16, 16)]
            pw = plsc.load_gather(twp_v, [idx])
            bb = plsc.bitcast(pw, jnp.bfloat16)
            v0, v1 = plsc.unpack(bb, format=plsc.PackFormat.INTERLEAVED)
            new.append(accs[2 * g] + v0)
            new.append(accs[2 * g + 1] + v1)
        return tuple(new)

    accs = lax.fori_loop(0, L, body, (zero,) * (2 * GROUPS), unroll=2)

    inv_l = jnp.float32(1.0 / L)
    bvec = plsc.bitcast(twp_v[pl.ds(BIAS_COL, 16)], jnp.float32)
    b0 = bvec[0]
    b1 = bvec[1]
    for g in range(GROUPS):
        out0_v[pl.ds(g * 16, 16)] = accs[2 * g] * inv_l + b0
        out1_v[pl.ds(g * 16, 16)] = accs[2 * g + 1] * inv_l + b1

    pltpu.sync_copy(out0_v, out0_hbm.at[pl.ds(base, SEQ_PER_W)])
    pltpu.sync_copy(out1_v, out1_hbm.at[pl.ds(base, SEQ_PER_W)])


def _pool_logits(twp, ids):
    mesh = plsc.VectorSubcoreMesh(core_axis_name="c", subcore_axis_name="s")
    f = functools.partial(
        pl.kernel,
        mesh=mesh,
        out_type=(
            jax.ShapeDtypeStruct((B,), jnp.float32),
            jax.ShapeDtypeStruct((B,), jnp.float32),
        ),
        scratch_types=[
            pltpu.VMEM((VP,), jnp.int32),
            pltpu.VMEM((L, SEQ_PER_W), jnp.int32),
            pltpu.VMEM((SEQ_PER_W,), jnp.float32),
            pltpu.VMEM((SEQ_PER_W,), jnp.float32),
            pltpu.VMEM_SHARED((VP,), jnp.int32),
            pltpu.SemaphoreType.DMA,
            pltpu.SemaphoreType.DMA,
        ],
        compiler_params=pltpu.CompilerParams(needs_layout_passes=False),
    )(_sc_kernel)
    return f(twp, ids)


def kernel(input_ids, table, W, b):
    b2 = b.astype(jnp.float32).reshape(NCLS, 1)
    twp = _compute_tw(table, W, b2)
    ids = input_ids.astype(jnp.int32).T
    out0, out1 = _pool_logits(twp, ids)
    return jnp.stack([out0, out1], axis=-1)

# --- scband reference (transcript-rebuilt; emitter-appended) ---
"""Pipeline reference for scband-my-model-61933428409957 (READ-ONLY COPY).

The authoritative reference and input builder live on the scoring server;
editing this copy changes nothing except your own understanding.
"""

import jax, jax.numpy as jnp
import numpy as np

VOCAB = 30522
D = 768
NCLS = 2
B = 4096
L = 200

def setup_inputs(seed: int = 0) -> dict:
    key = jax.random.key(seed)
    k1, k2, k3, k4 = jax.random.split(key, 4)
    input_ids = jax.random.randint(k1, (B, L), 0, VOCAB, dtype=jnp.int64 if jax.config.jax_enable_x64 else jnp.int32)
    table = jax.random.normal(k2, (VOCAB, D), dtype=jnp.float32) * 0.02
    W = jax.random.normal(k3, (NCLS, D), dtype=jnp.float32) * 0.02
    b = jax.random.normal(k4, (NCLS,), dtype=jnp.float32) * 0.02
    return {"input_ids": input_ids, "table": table, "W": W, "b": b}

def reference(input_ids, table, W, b):
    # embedding lookup: [B, L, D]
    embeddings = jnp.take(table, input_ids, axis=0)
    # mean pool over sequence dim
    pooled = embeddings.mean(axis=1)  # [B, D]
    # linear classifier
    logits = pooled @ W.T + b  # [B, 2]
    return logits

if __name__ == "__main__":
    import jax
    _d = setup_inputs()
    print(jax.jit(kernel)(*tuple(_d.values())))

</pallas_src>

<mosaic_0001>
#map = affine_map<(d0, d1) -> (0)>
#map1 = affine_map<(d0, d1) -> (0, 0)>
module attributes {stable_mosaic.version = 14 : i64} {
  func.func @_sc_kernel(%arg0: i32, %arg1: i32, %arg2: memref<30720xi32, #tpu.memory_space<hbm>>, %arg3: memref<200x4096xi32, #tpu.memory_space<hbm>>, %arg4: memref<4096xf32, #tpu.memory_space<hbm>>, %arg5: memref<4096xf32, #tpu.memory_space<hbm>>, %arg6: memref<30720xi32, #tpu.memory_space<vmem>>, %arg7: memref<200x128xi32, #tpu.memory_space<vmem>>, %arg8: memref<128xf32, #tpu.memory_space<vmem>>, %arg9: memref<128xf32, #tpu.memory_space<vmem>>, %arg10: memref<30720xi32, #tpu.memory_space<vmem_shared>>, %arg11: memref<!tpu.dma_semaphore, #tpu.memory_space<semaphore_mem>>, %arg12: memref<!tpu.dma_semaphore, #tpu.memory_space<semaphore_mem>>) attributes {dimension_semantics = [#tpu.dimension_semantics<core_parallel>, #tpu.dimension_semantics<subcore_parallel>], iteration_bounds = array<i64: 2, 16>, scalar_prefetch = 0 : i64, scratch_operands = 7 : i64, tpu.core_type = #tpu.core_type<sc_vector_subcore>, window_params = [{transform_indices = #map}, {transform_indices = #map1}, {transform_indices = #map}, {transform_indices = #map}]} {
    %mul3A = arith.constant 2 : i32
    %mul3A_0 = arith.muli %arg1, %mul3A : i32
    %add3A = arith.addi %mul3A_0, %arg0 : i32
    %mul3A_1 = arith.constant 128 : i32
    %mul3A_2 = arith.muli %add3A, %mul3A_1 : i32
    %dma_start3A = arith.constant 0 : i32
    %dma_start3A_3 = tpu.memref_slice %arg3[%dma_start3A, %mul3A_2] : memref<200x4096xi32, #tpu.memory_space<hbm>> -> memref<200x128xi32, #tpu.memory_space<hbm>>
    %dma_start3A_4 = arith.constant 0 : i32
    %dma_start3A_5 = tpu.memref_slice %arg3[%dma_start3A_4, %mul3A_2] : memref<200x4096xi32, #tpu.memory_space<hbm>> -> memref<200x128xi32, #tpu.memory_space<hbm>>
    tpu.enqueue_dma source(%dma_start3A_5 : memref<200x128xi32, #tpu.memory_space<hbm>>) target(%arg7 : memref<200x128xi32, #tpu.memory_space<vmem>>) target_semaphore(%arg12 : memref<!tpu.dma_semaphore, #tpu.memory_space<semaphore_mem>>)
    %eq3A = arith.constant 0 : i32
    %eq3A_6 = arith.cmpi eq, %arg1, %eq3A : i32
    %convert_element_type3A = arith.extui %eq3A_6 : i1 to i32
    %cond3A = arith.constant 0 : i32
    %cond3A_7 = arith.cmpi ne, %convert_element_type3A, %cond3A : i32
    scf.if %cond3A_7 {
      "tpu.region"() ({
        %run_scoped3A = tpu.sem_alloc : memref<!tpu.dma_semaphore, #tpu.memory_space<semaphore_mem>>
        tpu.enqueue_dma source(%arg2 : memref<30720xi32, #tpu.memory_space<hbm>>) target(%arg10 : memref<30720xi32, #tpu.memory_space<vmem_shared>>) target_semaphore(%run_scoped3A : memref<!tpu.dma_semaphore, #tpu.memory_space<semaphore_mem>>)
        tpu.wait_dma2 semaphore(%run_scoped3A : memref<!tpu.dma_semaphore, #tpu.memory_space<semaphore_mem>>) src(%arg2 : memref<30720xi32, #tpu.memory_space<hbm>>) dst(%arg10 : memref<30720xi32, #tpu.memory_space<vmem_shared>>)
        tpu.yield
      }) : () -> ()
    } else {
    }
    %barrier3A = arith.constant 0 : index
    tpu.barrier barrier_id(%barrier3A)
    tpu.enqueue_dma source(%arg10 : memref<30720xi32, #tpu.memory_space<vmem_shared>>) target(%arg6 : memref<30720xi32, #tpu.memory_space<vmem>>) target_semaphore(%arg11 : memref<!tpu.dma_semaphore, #tpu.memory_space<semaphore_mem>>)
    tpu.wait_dma2 semaphore(%arg11 : memref<!tpu.dma_semaphore, #tpu.memory_space<semaphore_mem>>) src(%arg10 : memref<30720xi32, #tpu.memory_space<vmem_shared>>) dst(%arg6 : memref<30720xi32, #tpu.memory_space<vmem>>)
    %dma_wait3A = arith.constant 0 : i32
    %dma_wait3A_8 = tpu.memref_slice %arg3[%dma_wait3A, %mul3A_2] : memref<200x4096xi32, #tpu.memory_space<hbm>> -> memref<200x128xi32, #tpu.memory_space<hbm>>
    %dma_wait3A_9 = arith.constant 0 : i32
    %dma_wait3A_10 = tpu.memref_slice %arg3[%dma_wait3A_9, %mul3A_2] : memref<200x4096xi32, #tpu.memory_space<hbm>> -> memref<200x128xi32, #tpu.memory_space<hbm>>
    tpu.wait_dma2 semaphore(%arg12 : memref<!tpu.dma_semaphore, #tpu.memory_space<semaphore_mem>>) src(%dma_wait3A_10 : memref<200x128xi32, #tpu.memory_space<hbm>>) dst(%arg7 : memref<200x128xi32, #tpu.memory_space<vmem>>)
    %broadcast_in_dim3A = arith.constant 0.000000e+00 : f32
    %broadcast_in_dim3A_11 = vector.broadcast %broadcast_in_dim3A : f32 to vector<16xf32>
    %scan3A = arith.constant 0 : i32
    %scan3A_12 = arith.constant 200 : i32
    %scan3A_13 = arith.addi %scan3A, %scan3A_12 : i32
    %scan3A_14 = arith.constant 2 : i32
    %scan3A_15:16 = scf.for %scan3A_131 = %scan3A to %scan3A_13 step %scan3A_14 iter_args(%scan3A_132 = %broadcast_in_dim3A_11, %scan3A_133 = %broadcast_in_dim3A_11, %scan3A_134 = %broadcast_in_dim3A_11, %scan3A_135 = %broadcast_in_dim3A_11, %scan3A_136 = %broadcast_in_dim3A_11, %scan3A_137 = %broadcast_in_dim3A_11, %scan3A_138 = %broadcast_in_dim3A_11, %scan3A_139 = %broadcast_in_dim3A_11, %scan3A_140 = %broadcast_in_dim3A_11, %scan3A_141 = %broadcast_in_dim3A_11, %scan3A_142 = %broadcast_in_dim3A_11, %scan3A_143 = %broadcast_in_dim3A_11, %scan3A_144 = %broadcast_in_dim3A_11, %scan3A_145 = %broadcast_in_dim3A_11, %scan3A_146 = %broadcast_in_dim3A_11, %scan3A_147 = %broadcast_in_dim3A_11) -> (vector<16xf32>, vector<16xf32>, vector<16xf32>, vector<16xf32>, vector<16xf32>, vector<16xf32>, vector<16xf32>, vector<16xf32>, vector<16xf32>, vector<16xf32>, vector<16xf32>, vector<16xf32>, vector<16xf32>, vector<16xf32>, vector<16xf32>, vector<16xf32>)  : i32 {
      %get3A_148 = arith.index_cast %scan3A_131 : i32 to index
      %get3A_149 = arith.constant 0 : index
      %get3A_150 = tpu.vector_load %arg7[%get3A_148, %get3A_149] {strides = array<i32>} : memref<200x128xi32, #tpu.memory_space<vmem>>, vector<16xi32>,
      %gather3A = tpu.vector_load_idx %arg6[%get3A_150] : memref<30720xi32, #tpu.memory_space<vmem>>[vector<16xi32>], vector<16xi32>,
      %bitcast3A_151 = vector.bitcast %gather3A : vector<16xi32> to vector<32xbf16>
      %unpack3A = tpu.unpack_subelements %bitcast3A_151, 0 {pack_format = #tpu.pack_format<interleaved>} : vector<32xbf16> -> vector<16xf32>
      %unpack3A_152 = tpu.unpack_subelements %bitcast3A_151, 1 {pack_format = #tpu.pack_format<interleaved>} : vector<32xbf16> -> vector<16xf32>
      %add3A_153 = arith.addf %scan3A_132, %unpack3A : vector<16xf32>
      %add3A_154 = arith.addf %scan3A_133, %unpack3A_152 : vector<16xf32>
      %get3A_155 = arith.index_cast %scan3A_131 : i32 to index
      %get3A_156 = arith.constant 16 : index
      %get3A_157 = tpu.vector_load %arg7[%get3A_155, %get3A_156] {strides = array<i32>} : memref<200x128xi32, #tpu.memory_space<vmem>>, vector<16xi32>,
      %gather3A_158 = tpu.vector_load_idx %arg6[%get3A_157] : memref<30720xi32, #tpu.memory_space<vmem>>[vector<16xi32>], vector<16xi32>,
      %bitcast3A_159 = vector.bitcast %gather3A_158 : vector<16xi32> to vector<32xbf16>
      %unpack3A_160 = tpu.unpack_subelements %bitcast3A_159, 0 {pack_format = #tpu.pack_format<interleaved>} : vector<32xbf16> -> vector<16xf32>
      %unpack3A_161 = tpu.unpack_subelements %bitcast3A_159, 1 {pack_format = #tpu.pack_format<interleaved>} : vector<32xbf16> -> vector<16xf32>
      %add3A_162 = arith.addf %scan3A_134, %unpack3A_160 : vector<16xf32>
      %add3A_163 = arith.addf %scan3A_135, %unpack3A_161 : vector<16xf32>
      %get3A_164 = arith.index_cast %scan3A_131 : i32 to index
      %get3A_165 = arith.constant 32 : index
      %get3A_166 = tpu.vector_load %arg7[%get3A_164, %get3A_165] {strides = array<i32>} : memref<200x128xi32, #tpu.memory_space<vmem>>, vector<16xi32>,
      %gather3A_167 = tpu.vector_load_idx %arg6[%get3A_166] : memref<30720xi32, #tpu.memory_space<vmem>>[vector<16xi32>], vector<16xi32>,
      %bitcast3A_168 = vector.bitcast %gather3A_167 : vector<16xi32> to vector<32xbf16>
      %unpack3A_169 = tpu.unpack_subelements %bitcast3A_168, 0 {pack_format = #tpu.pack_format<interleaved>} : vector<32xbf16> -> vector<16xf32>
      %unpack3A_170 = tpu.unpack_subelements %bitcast3A_168, 1 {pack_format = #tpu.pack_format<interleaved>} : vector<32xbf16> -> vector<16xf32>
      %add3A_171 = arith.addf %scan3A_136, %unpack3A_169 : vector<16xf32>
      %add3A_172 = arith.addf %scan3A_137, %unpack3A_170 : vector<16xf32>
      %get3A_173 = arith.index_cast %scan3A_131 : i32 to index
      %get3A_174 = arith.constant 48 : index
      %get3A_175 = tpu.vector_load %arg7[%get3A_173, %get3A_174] {strides = array<i32>} : memref<200x128xi32, #tpu.memory_space<vmem>>, vector<16xi32>,
      %gather3A_176 = tpu.vector_load_idx %arg6[%get3A_175] : memref<30720xi32, #tpu.memory_space<vmem>>[vector<16xi32>], vector<16xi32>,
      %bitcast3A_177 = vector.bitcast %gather3A_176 : vector<16xi32> to vector<32xbf16>
      %unpack3A_178 = tpu.unpack_subelements %bitcast3A_177, 0 {pack_format = #tpu.pack_format<interleaved>} : vector<32xbf16> -> vector<16xf32>
      %unpack3A_179 = tpu.unpack_subelements %bitcast3A_177, 1 {pack_format = #tpu.pack_format<interleaved>} : vector<32xbf16> -> vector<16xf32>
      %add3A_180 = arith.addf %scan3A_138, %unpack3A_178 : vector<16xf32>
      %add3A_181 = arith.addf %scan3A_139, %unpack3A_179 : vector<16xf32>
      %get3A_182 = arith.index_cast %scan3A_131 : i32 to index
      %get3A_183 = arith.constant 64 : index
      %get3A_184 = tpu.vector_load %arg7[%get3A_182, %get3A_183] {strides = array<i32>} : memref<200x128xi32, #tpu.memory_space<vmem>>, vector<16xi32>,
      %gather3A_185 = tpu.vector_load_idx %arg6[%get3A_184] : memref<30720xi32, #tpu.memory_space<vmem>>[vector<16xi32>], vector<16xi32>,
      %bitcast3A_186 = vector.bitcast %gather3A_185 : vector<16xi32> to vector<32xbf16>
      %unpack3A_187 = tpu.unpack_subelements %bitcast3A_186, 0 {pack_format = #tpu.pack_format<interleaved>} : vector<32xbf16> -> vector<16xf32>
      %unpack3A_188 = tpu.unpack_subelements %bitcast3A_186, 1 {pack_format = #tpu.pack_format<interleaved>} : vector<32xbf16> -> vector<16xf32>
      %add3A_189 = arith.addf %scan3A_140, %unpack3A_187 : vector<16xf32>
      %add3A_190 = arith.addf %scan3A_141, %unpack3A_188 : vector<16xf32>
      %get3A_191 = arith.index_cast %scan3A_131 : i32 to index
      %get3A_192 = arith.constant 80 : index
      %get3A_193 = tpu.vector_load %arg7[%get3A_191, %get3A_192] {strides = array<i32>} : memref<200x128xi32, #tpu.memory_space<vmem>>, vector<16xi32>,
      %gather3A_194 = tpu.vector_load_idx %arg6[%get3A_193] : memref<30720xi32, #tpu.memory_space<vmem>>[vector<16xi32>], vector<16xi32>,
      %bitcast3A_195 = vector.bitcast %gather3A_194 : vector<16xi32> to vector<32xbf16>
      %unpack3A_196 = tpu.unpack_subelements %bitcast3A_195, 0 {pack_format = #tpu.pack_format<interleaved>} : vector<32xbf16> -> vector<16xf32>
      %unpack3A_197 = tpu.unpack_subelements %bitcast3A_195, 1 {pack_format = #tpu.pack_format<interleaved>} : vector<32xbf16> -> vector<16xf32>
      %add3A_198 = arith.addf %scan3A_142, %unpack3A_196 : vector<16xf32>
      %add3A_199 = arith.addf %scan3A_143, %unpack3A_197 : vector<16xf32>
      %get3A_200 = arith.index_cast %scan3A_131 : i32 to index
      %get3A_201 = arith.constant 96 : index
      %get3A_202 = tpu.vector_load %arg7[%get3A_200, %get3A_201] {strides = array<i32>} : memref<200x128xi32, #tpu.memory_space<vmem>>, vector<16xi32>,
      %gather3A_203 = tpu.vector_load_idx %arg6[%get3A_202] : memref<30720xi32, #tpu.memory_space<vmem>>[vector<16xi32>], vector<16xi32>,
      %bitcast3A_204 = vector.bitcast %gather3A_203 : vector<16xi32> to vector<32xbf16>
      %unpack3A_205 = tpu.unpack_subelements %bitcast3A_204, 0 {pack_format = #tpu.pack_format<interleaved>} : vector<32xbf16> -> vector<16xf32>
      %unpack3A_206 = tpu.unpack_subelements %bitcast3A_204, 1 {pack_format = #tpu.pack_format<interleaved>} : vector<32xbf16> -> vector<16xf32>
      %add3A_207 = arith.addf %scan3A_144, %unpack3A_205 : vector<16xf32>
      %add3A_208 = arith.addf %scan3A_145, %unpack3A_206 : vector<16xf32>
      %get3A_209 = arith.index_cast %scan3A_131 : i32 to index
      %get3A_210 = arith.constant 112 : index
      %get3A_211 = tpu.vector_load %arg7[%get3A_209, %get3A_210] {strides = array<i32>} : memref<200x128xi32, #tpu.memory_space<vmem>>, vector<16xi32>,
      %gather3A_212 = tpu.vector_load_idx %arg6[%get3A_211] : memref<30720xi32, #tpu.memory_space<vmem>>[vector<16xi32>], vector<16xi32>,
      %bitcast3A_213 = vector.bitcast %gather3A_212 : vector<16xi32> to vector<32xbf16>
      %unpack3A_214 = tpu.unpack_subelements %bitcast3A_213, 0 {pack_format = #tpu.pack_format<interleaved>} : vector<32xbf16> -> vector<16xf32>
      %unpack3A_215 = tpu.unpack_subelements %bitcast3A_213, 1 {pack_format = #tpu.pack_format<interleaved>} : vector<32xbf16> -> vector<16xf32>
      %add3A_216 = arith.addf %scan3A_146, %unpack3A_214 : vector<16xf32>
      %add3A_217 = arith.addf %scan3A_147, %unpack3A_215 : vector<16xf32>
      %scan3A_218 = arith.constant 1 : i32
      %scan3A_219 = arith.addi %scan3A_131, %scan3A_218 : i32
      %get3A_220 = arith.index_cast %scan3A_219 : i32 to index
      %get3A_221 = arith.constant 0 : index
      %get3A_222 = tpu.vector_load %arg7[%get3A_220, %get3A_221] {strides = array<i32>} : memref<200x128xi32, #tpu.memory_space<vmem>>, vector<16xi32>,
      %gather3A_223 = tpu.vector_load_idx %arg6[%get3A_222] : memref<30720xi32, #tpu.memory_space<vmem>>[vector<16xi32>], vector<16xi32>,
      %bitcast3A_224 = vector.bitcast %gather3A_223 : vector<16xi32> to vector<32xbf16>
      %unpack3A_225 = tpu.unpack_subelements %bitcast3A_224, 0 {pack_format = #tpu.pack_format<interleaved>} : vector<32xbf16> -> vector<16xf32>
      %unpack3A_226 = tpu.unpack_subelements %bitcast3A_224, 1 {pack_format = #tpu.pack_format<interleaved>} : vector<32xbf16> -> vector<16xf32>
      %add3A_227 = arith.addf %add3A_153, %unpack3A_225 : vector<16xf32>
      %add3A_228 = arith.addf %add3A_154, %unpack3A_226 : vector<16xf32>
      %get3A_229 = arith.index_cast %scan3A_219 : i32 to index
      %get3A_230 = arith.constant 16 : index
      %get3A_231 = tpu.vector_load %arg7[%get3A_229, %get3A_230] {strides = array<i32>} : memref<200x128xi32, #tpu.memory_space<vmem>>, vector<16xi32>,
      %gather3A_232 = tpu.vector_load_idx %arg6[%get3A_231] : memref<30720xi32, #tpu.memory_space<vmem>>[vector<16xi32>], vector<16xi32>,
      %bitcast3A_233 = vector.bitcast %gather3A_232 : vector<16xi32> to vector<32xbf16>
      %unpack3A_234 = tpu.unpack_subelements %bitcast3A_233, 0 {pack_format = #tpu.pack_format<interleaved>} : vector<32xbf16> -> vector<16xf32>
      %unpack3A_235 = tpu.unpack_subelements %bitcast3A_233, 1 {pack_format = #tpu.pack_format<interleaved>} : vector<32xbf16> -> vector<16xf32>
      %add3A_236 = arith.addf %add3A_162, %unpack3A_234 : vector<16xf32>
      %add3A_237 = arith.addf %add3A_163, %unpack3A_235 : vector<16xf32>
      %get3A_238 = arith.index_cast %scan3A_219 : i32 to index
      %get3A_239 = arith.constant 32 : index
      %get3A_240 = tpu.vector_load %arg7[%get3A_238, %get3A_239] {strides = array<i32>} : memref<200x128xi32, #tpu.memory_space<vmem>>, vector<16xi32>,
      %gather3A_241 = tpu.vector_load_idx %arg6[%get3A_240] : memref<30720xi32, #tpu.memory_space<vmem>>[vector<16xi32>], vector<16xi32>,
      %bitcast3A_242 = vector.bitcast %gather3A_241 : vector<16xi32> to vector<32xbf16>
      %unpack3A_243 = tpu.unpack_subelements %bitcast3A_242, 0 {pack_format = #tpu.pack_format<interleaved>} : vector<32xbf16> -> vector<16xf32>
      %unpack3A_244 = tpu.unpack_subelements %bitcast3A_242, 1 {pack_format = #tpu.pack_format<interleaved>} : vector<32xbf16> -> vector<16xf32>
      %add3A_245 = arith.addf %add3A_171, %unpack3A_243 : vector<16xf32>
      %add3A_246 = arith.addf %add3A_172, %unpack3A_244 : vector<16xf32>
      %get3A_247 = arith.index_cast %scan3A_219 : i32 to index
      %get3A_248 = arith.constant 48 : index
      %get3A_249 = tpu.vector_load %arg7[%get3A_247, %get3A_248] {strides = array<i32>} : memref<200x128xi32, #tpu.memory_space<vmem>>, vector<16xi32>,
      %gather3A_250 = tpu.vector_load_idx %arg6[%get3A_249] : memref<30720xi32, #tpu.memory_space<vmem>>[vector<16xi32>], vector<16xi32>,
      %bitcast3A_251 = vector.bitcast %gather3A_250 : vector<16xi32> to vector<32xbf16>
      %unpack3A_252 = tpu.unpack_subelements %bitcast3A_251, 0 {pack_format = #tpu.pack_format<interleaved>} : vector<32xbf16> -> vector<16xf32>
      %unpack3A_253 = tpu.unpack_subelements %bitcast3A_251, 1 {pack_format = #tpu.pack_format<interleaved>} : vector<32xbf16> -> vector<16xf32>
      %add3A_254 = arith.addf %add3A_180, %unpack3A_252 : vector<16xf32>
      %add3A_255 = arith.addf %add3A_181, %unpack3A_253 : vector<16xf32>
      %get3A_256 = arith.index_cast %scan3A_219 : i32 to index
      %get3A_257 = arith.constant 64 : index
      %get3A_258 = tpu.vector_load %arg7[%get3A_256, %get3A_257] {strides = array<i32>} : memref<200x128xi32, #tpu.memory_space<vmem>>, vector<16xi32>,
      %gather3A_259 = tpu.vector_load_idx %arg6[%get3A_258] : memref<30720xi32, #tpu.memory_space<vmem>>[vector<16xi32>], vector<16xi32>,
      %bitcast3A_260 = vector.bitcast %gather3A_259 : vector<16xi32> to vector<32xbf16>
      %unpack3A_261 = tpu.unpack_subelements %bitcast3A_260, 0 {pack_format = #tpu.pack_format<interleaved>} : vector<32xbf16> -> vector<16xf32>
      %unpack3A_262 = tpu.unpack_subelements %bitcast3A_260, 1 {pack_format = #tpu.pack_format<interleaved>} : vector<32xbf16> -> vector<16xf32>
      %add3A_263 = arith.addf %add3A_189, %unpack3A_261 : vector<16xf32>
      %add3A_264 = arith.addf %add3A_190, %unpack3A_262 : vector<16xf32>
      %get3A_265 = arith.index_cast %scan3A_219 : i32 to index
      %get3A_266 = arith.constant 80 : index
      %get3A_267 = tpu.vector_load %arg7[%get3A_265, %get3A_266] {strides = array<i32>} : memref<200x128xi32, #tpu.memory_space<vmem>>, vector<16xi32>,
      %gather3A_268 = tpu.vector_load_idx %arg6[%get3A_267] : memref<30720xi32, #tpu.memory_space<vmem>>[vector<16xi32>], vector<16xi32>,
      %bitcast3A_269 = vector.bitcast %gather3A_268 : vector<16xi32> to vector<32xbf16>
      %unpack3A_270 = tpu.unpack_subelements %bitcast3A_269, 0 {pack_format = #tpu.pack_format<interleaved>} : vector<32xbf16> -> vector<16xf32>
      %unpack3A_271 = tpu.unpack_subelements %bitcast3A_269, 1 {pack_format = #tpu.pack_format<interleaved>} : vector<32xbf16> -> vector<16xf32>
      %add3A_272 = arith.addf %add3A_198, %unpack3A_270 : vector<16xf32>
      %add3A_273 = arith.addf %add3A_199, %unpack3A_271 : vector<16xf32>
      %get3A_274 = arith.index_cast %scan3A_219 : i32 to index
      %get3A_275 = arith.constant 96 : index
      %get3A_276 = tpu.vector_load %arg7[%get3A_274, %get3A_275] {strides = array<i32>} : memref<200x128xi32, #tpu.memory_space<vmem>>, vector<16xi32>,
      %gather3A_277 = tpu.vector_load_idx %arg6[%get3A_276] : memref<30720xi32, #tpu.memory_space<vmem>>[vector<16xi32>], vector<16xi32>,
      %bitcast3A_278 = vector.bitcast %gather3A_277 : vector<16xi32> to vector<32xbf16>
      %unpack3A_279 = tpu.unpack_subelements %bitcast3A_278, 0 {pack_format = #tpu.pack_format<interleaved>} : vector<32xbf16> -> vector<16xf32>
      %unpack3A_280 = tpu.unpack_subelements %bitcast3A_278, 1 {pack_format = #tpu.pack_format<interleaved>} : vector<32xbf16> -> vector<16xf32>
      %add3A_281 = arith.addf %add3A_207, %unpack3A_279 : vector<16xf32>
      %add3A_282 = arith.addf %add3A_208, %unpack3A_280 : vector<16xf32>
      %get3A_283 = arith.index_cast %scan3A_219 : i32 to index
      %get3A_284 = arith.constant 112 : index
      %get3A_285 = tpu.vector_load %arg7[%get3A_283, %get3A_284] {strides = array<i32>} : memref<200x128xi32, #tpu.memory_space<vmem>>, vector<16xi32>,
      %gather3A_286 = tpu.vector_load_idx %arg6[%get3A_285] : memref<30720xi32, #tpu.memory_space<vmem>>[vector<16xi32>], vector<16xi32>,
      %bitcast3A_287 = vector.bitcast %gather3A_286 : vector<16xi32> to vector<32xbf16>
      %unpack3A_288 = tpu.unpack_subelements %bitcast3A_287, 0 {pack_format = #tpu.pack_format<interleaved>} : vector<32xbf16> -> vector<16xf32>
      %unpack3A_289 = tpu.unpack_subelements %bitcast3A_287, 1 {pack_format = #tpu.pack_format<interleaved>} : vector<32xbf16> -> vector<16xf32>
      %add3A_290 = arith.addf %add3A_216, %unpack3A_288 : vector<16xf32>
      %add3A_291 = arith.addf %add3A_217, %unpack3A_289 : vector<16xf32>
      scf.yield %add3A_227, %add3A_228, %add3A_236, %add3A_237, %add3A_245, %add3A_246, %add3A_254, %add3A_255, %add3A_263, %add3A_264, %add3A_272, %add3A_273, %add3A_281, %add3A_282, %add3A_290, %add3A_291 : vector<16xf32>, vector<16xf32>, vector<16xf32>, vector<16xf32>, vector<16xf32>, vector<16xf32>, vector<16xf32>, vector<16xf32>, vector<16xf32>, vector<16xf32>, vector<16xf32>, vector<16xf32>, vector<16xf32>, vector<16xf32>, vector<16xf32>, vector<16xf32>
    }
    %scan3A_16 = arith.constant 200 : i32
    %get3A = arith.constant 30528 : index
    %get3A_17 = tpu.vector_load %arg6[%get3A] {strides = array<i32>} : memref<30720xi32, #tpu.memory_space<vmem>>, vector<16xi32>,
    %bitcast3A = vector.bitcast %get3A_17 : vector<16xi32> to vector<16xf32>
    %slice3A = vector.extract_strided_slice %bitcast3A {offsets = [0], sizes = [1], strides = [1]} : vector<16xf32> to vector<1xf32>
    %squeeze3A = vector.extract %slice3A[0] : f32 from vector<1xf32>
    %slice3A_18 = vector.extract_strided_slice %bitcast3A {offsets = [1], sizes = [1], strides = [1]} : vector<16xf32> to vector<1xf32>
    %squeeze3A_19 = vector.extract %slice3A_18[0] : f32 from vector<1xf32>
    %mul3A_20 = arith.constant 5.000000e-03 : f32
    %mul3A_21 = vector.broadcast %mul3A_20 : f32 to vector<16xf32>
    %mul3A_22 = arith.mulf %scan3A_15#0, %mul3A_21 : vector<16xf32>
    %add3A_23 = vector.broadcast %squeeze3A : f32 to vector<16xf32>
    %add3A_24 = arith.addf %mul3A_22, %add3A_23 : vector<16xf32>
    %swap3A = arith.constant 0 : index
    %swap3A_25 = tpu.vector_load %arg8[%swap3A] {strides = array<i32>} : memref<128xf32, #tpu.memory_space<vmem>>, vector<16xf32>,
    tpu.vector_store %arg8[%swap3A], %add3A_24 {strides = array<i32>} : memref<128xf32, #tpu.memory_space<vmem>>, vector<16xf32>,
    %mul3A_26 = arith.constant 5.000000e-03 : f32
    %mul3A_27 = vector.broadcast %mul3A_26 : f32 to vector<16xf32>
    %mul3A_28 = arith.mulf %scan3A_15#1, %mul3A_27 : vector<16xf32>
    %add3A_29 = vector.broadcast %squeeze3A_19 : f32 to vector<16xf32>
    %add3A_30 = arith.addf %mul3A_28, %add3A_29 : vector<16xf32>
    %swap3A_31 = arith.constant 0 : index
    %swap3A_32 = tpu.vector_load %arg9[%swap3A_31] {strides = array<i32>} : memref<128xf32, #tpu.memory_space<vmem>>, vector<16xf32>,
    tpu.vector_store %arg9[%swap3A_31], %add3A_30 {strides = array<i32>} : memref<128xf32, #tpu.memory_space<vmem>>, vector<16xf32>,
    %mul3A_33 = arith.constant 5.000000e-03 : f32
    %mul3A_34 = vector.broadcast %mul3A_33 : f32 to vector<16xf32>
    %mul3A_35 = arith.mulf %scan3A_15#2, %mul3A_34 : vector<16xf32>
    %add3A_36 = vector.broadcast %squeeze3A : f32 to vector<16xf32>
    %add3A_37 = arith.addf %mul3A_35, %add3A_36 : vector<16xf32>
    %swap3A_38 = arith.constant 16 : index
    %swap3A_39 = tpu.vector_load %arg8[%swap3A_38] {strides = array<i32>} : memref<128xf32, #tpu.memory_space<vmem>>, vector<16xf32>,
    tpu.vector_store %arg8[%swap3A_38], %add3A_37 {strides = array<i32>} : memref<128xf32, #tpu.memory_space<vmem>>, vector<16xf32>,
    %mul3A_40 = arith.constant 5.000000e-03 : f32
    %mul3A_41 = vector.broadcast %mul3A_40 : f32 to vector<16xf32>
    %mul3A_42 = arith.mulf %scan3A_15#3, %mul3A_41 : vector<16xf32>
    %add3A_43 = vector.broadcast %squeeze3A_19 : f32 to vector<16xf32>
    %add3A_44 = arith.addf %mul3A_42, %add3A_43 : vector<16xf32>
    %swap3A_45 = arith.constant 16 : index
    %swap3A_46 = tpu.vector_load %arg9[%swap3A_45] {strides = array<i32>} : memref<128xf32, #tpu.memory_space<vmem>>, vector<16xf32>,
    tpu.vector_store %arg9[%swap3A_45], %add3A_44 {strides = array<i32>} : memref<128xf32, #tpu.memory_space<vmem>>, vector<16xf32>,
    %mul3A_47 = arith.constant 5.000000e-03 : f32
    %mul3A_48 = vector.broadcast %mul3A_47 : f32 to vector<16xf32>
    %mul3A_49 = arith.mulf %scan3A_15#4, %mul3A_48 : vector<16xf32>
    %add3A_50 = vector.broadcast %squeeze3A : f32 to vector<16xf32>
    %add3A_51 = arith.addf %mul3A_49, %add3A_50 : vector<16xf32>
    %swap3A_52 = arith.constant 32 : index
    %swap3A_53 = tpu.vector_load %arg8[%swap3A_52] {strides = array<i32>} : memref<128xf32, #tpu.memory_space<vmem>>, vector<16xf32>,
    tpu.vector_store %arg8[%swap3A_52], %add3A_51 {strides = array<i32>} : memref<128xf32, #tpu.memory_space<vmem>>, vector<16xf32>,
    %mul3A_54 = arith.constant 5.000000e-03 : f32
    %mul3A_55 = vector.broadcast %mul3A_54 : f32 to vector<16xf32>
    %mul3A_56 = arith.mulf %scan3A_15#5, %mul3A_55 : vector<16xf32>
    %add3A_57 = vector.broadcast %squeeze3A_19 : f32 to vector<16xf32>
    %add3A_58 = arith.addf %mul3A_56, %add3A_57 : vector<16xf32>
    %swap3A_59 = arith.constant 32 : index
    %swap3A_60 = tpu.vector_load %arg9[%swap3A_59] {strides = array<i32>} : memref<128xf32, #tpu.memory_space<vmem>>, vector<16xf32>,
    tpu.vector_store %arg9[%swap3A_59], %add3A_58 {strides = array<i32>} : memref<128xf32, #tpu.memory_space<vmem>>, vector<16xf32>,
    %mul3A_61 = arith.constant 5.000000e-03 : f32
    %mul3A_62 = vector.broadcast %mul3A_61 : f32 to vector<16xf32>
    %mul3A_63 = arith.mulf %scan3A_15#6, %mul3A_62 : vector<16xf32>
    %add3A_64 = vector.broadcast %squeeze3A : f32 to vector<16xf32>
    %add3A_65 = arith.addf %mul3A_63, %add3A_64 : vector<16xf32>
    %swap3A_66 = arith.constant 48 : index
    %swap3A_67 = tpu.vector_load %arg8[%swap3A_66] {strides = array<i32>} : memref<128xf32, #tpu.memory_space<vmem>>, vector<16xf32>,
    tpu.vector_store %arg8[%swap3A_66], %add3A_65 {strides = array<i32>} : memref<128xf32, #tpu.memory_space<vmem>>, vector<16xf32>,
    %mul3A_68 = arith.constant 5.000000e-03 : f32
    %mul3A_69 = vector.broadcast %mul3A_68 : f32 to vector<16xf32>
    %mul3A_70 = arith.mulf %scan3A_15#7, %mul3A_69 : vector<16xf32>
    %add3A_71 = vector.broadcast %squeeze3A_19 : f32 to vector<16xf32>
    %add3A_72 = arith.addf %mul3A_70, %add3A_71 : vector<16xf32>
    %swap3A_73 = arith.constant 48 : index
    %swap3A_74 = tpu.vector_load %arg9[%swap3A_73] {strides = array<i32>} : memref<128xf32, #tpu.memory_space<vmem>>, vector<16xf32>,
    tpu.vector_store %arg9[%swap3A_73], %add3A_72 {strides = array<i32>} : memref<128xf32, #tpu.memory_space<vmem>>, vector<16xf32>,
    %mul3A_75 = arith.constant 5.000000e-03 : f32
    %mul3A_76 = vector.broadcast %mul3A_75 : f32 to vector<16xf32>
    %mul3A_77 = arith.mulf %scan3A_15#8, %mul3A_76 : vector<16xf32>
    %add3A_78 = vector.broadcast %squeeze3A : f32 to vector<16xf32>
    %add3A_79 = arith.addf %mul3A_77, %add3A_78 : vector<16xf32>
    %swap3A_80 = arith.constant 64 : index
    %swap3A_81 = tpu.vector_load %arg8[%swap3A_80] {strides = array<i32>} : memref<128xf32, #tpu.memory_space<vmem>>, vector<16xf32>,
    tpu.vector_store %arg8[%swap3A_80], %add3A_79 {strides = array<i32>} : memref<128xf32, #tpu.memory_space<vmem>>, vector<16xf32>,
    %mul3A_82 = arith.constant 5.000000e-03 : f32
    %mul3A_83 = vector.broadcast %mul3A_82 : f32 to vector<16xf32>
    %mul3A_84 = arith.mulf %scan3A_15#9, %mul3A_83 : vector<16xf32>
    %add3A_85 = vector.broadcast %squeeze3A_19 : f32 to vector<16xf32>
    %add3A_86 = arith.addf %mul3A_84, %add3A_85 : vector<16xf32>
    %swap3A_87 = arith.constant 64 : index
    %swap3A_88 = tpu.vector_load %arg9[%swap3A_87] {strides = array<i32>} : memref<128xf32, #tpu.memory_space<vmem>>, vector<16xf32>,
    tpu.vector_store %arg9[%swap3A_87], %add3A_86 {strides = array<i32>} : memref<128xf32, #tpu.memory_space<vmem>>, vector<16xf32>,
    %mul3A_89 = arith.constant 5.000000e-03 : f32
    %mul3A_90 = vector.broadcast %mul3A_89 : f32 to vector<16xf32>
    %mul3A_91 = arith.mulf %scan3A_15#10, %mul3A_90 : vector<16xf32>
    %add3A_92 = vector.broadcast %squeeze3A : f32 to vector<16xf32>
    %add3A_93 = arith.addf %mul3A_91, %add3A_92 : vector<16xf32>
    %swap3A_94 = arith.constant 80 : index
    %swap3A_95 = tpu.vector_load %arg8[%swap3A_94] {strides = array<i32>} : memref<128xf32, #tpu.memory_space<vmem>>, vector<16xf32>,
    tpu.vector_store %arg8[%swap3A_94], %add3A_93 {strides = array<i32>} : memref<128xf32, #tpu.memory_space<vmem>>, vector<16xf32>,
    %mul3A_96 = arith.constant 5.000000e-03 : f32
    %mul3A_97 = vector.broadcast %mul3A_96 : f32 to vector<16xf32>
    %mul3A_98 = arith.mulf %scan3A_15#11, %mul3A_97 : vector<16xf32>
    %add3A_99 = vector.broadcast %squeeze3A_19 : f32 to vector<16xf32>
    %add3A_100 = arith.addf %mul3A_98, %add3A_99 : vector<16xf32>
    %swap3A_101 = arith.constant 80 : index
    %swap3A_102 = tpu.vector_load %arg9[%swap3A_101] {strides = array<i32>} : memref<128xf32, #tpu.memory_space<vmem>>, vector<16xf32>,
    tpu.vector_store %arg9[%swap3A_101], %add3A_100 {strides = array<i32>} : memref<128xf32, #tpu.memory_space<vmem>>, vector<16xf32>,
    %mul3A_103 = arith.constant 5.000000e-03 : f32
    %mul3A_104 = vector.broadcast %mul3A_103 : f32 to vector<16xf32>
    %mul3A_105 = arith.mulf %scan3A_15#12, %mul3A_104 : vector<16xf32>
    %add3A_106 = vector.broadcast %squeeze3A : f32 to vector<16xf32>
    %add3A_107 = arith.addf %mul3A_105, %add3A_106 : vector<16xf32>
    %swap3A_108 = arith.constant 96 : index
    %swap3A_109 = tpu.vector_load %arg8[%swap3A_108] {strides = array<i32>} : memref<128xf32, #tpu.memory_space<vmem>>, vector<16xf32>,
    tpu.vector_store %arg8[%swap3A_108], %add3A_107 {strides = array<i32>} : memref<128xf32, #tpu.memory_space<vmem>>, vector<16xf32>,
    %mul3A_110 = arith.constant 5.000000e-03 : f32
    %mul3A_111 = vector.broadcast %mul3A_110 : f32 to vector<16xf32>
    %mul3A_112 = arith.mulf %scan3A_15#13, %mul3A_111 : vector<16xf32>
    %add3A_113 = vector.broadcast %squeeze3A_19 : f32 to vector<16xf32>
    %add3A_114 = arith.addf %mul3A_112, %add3A_113 : vector<16xf32>
    %swap3A_115 = arith.constant 96 : index
    %swap3A_116 = tpu.vector_load %arg9[%swap3A_115] {strides = array<i32>} : memref<128xf32, #tpu.memory_space<vmem>>, vector<16xf32>,
    tpu.vector_store %arg9[%swap3A_115], %add3A_114 {strides = array<i32>} : memref<128xf32, #tpu.memory_space<vmem>>, vector<16xf32>,
    %mul3A_117 = arith.constant 5.000000e-03 : f32
    %mul3A_118 = vector.broadcast %mul3A_117 : f32 to vector<16xf32>
    %mul3A_119 = arith.mulf %scan3A_15#14, %mul3A_118 : vector<16xf32>
    %add3A_120 = vector.broadcast %squeeze3A : f32 to vector<16xf32>
    %add3A_121 = arith.addf %mul3A_119, %add3A_120 : vector<16xf32>
    %swap3A_122 = arith.constant 112 : index
    %swap3A_123 = tpu.vector_load %arg8[%swap3A_122] {strides = array<i32>} : memref<128xf32, #tpu.memory_space<vmem>>, vector<16xf32>,
    tpu.vector_store %arg8[%swap3A_122], %add3A_121 {strides = array<i32>} : memref<128xf32, #tpu.memory_space<vmem>>, vector<16xf32>,
    %mul3A_124 = arith.constant 5.000000e-03 : f32
    %mul3A_125 = vector.broadcast %mul3A_124 : f32 to vector<16xf32>
    %mul3A_126 = arith.mulf %scan3A_15#15, %mul3A_125 : vector<16xf32>
    %add3A_127 = vector.broadcast %squeeze3A_19 : f32 to vector<16xf32>
    %add3A_128 = arith.addf %mul3A_126, %add3A_127 : vector<16xf32>
    %swap3A_129 = arith.constant 112 : index
    %swap3A_130 = tpu.vector_load %arg9[%swap3A_129] {strides = array<i32>} : memref<128xf32, #tpu.memory_space<vmem>>, vector<16xf32>,
    tpu.vector_store %arg9[%swap3A_129], %add3A_128 {strides = array<i32>} : memref<128xf32, #tpu.memory_space<vmem>>, vector<16xf32>,
    "tpu.region"() ({
      %run_scoped3A = tpu.sem_alloc : memref<!tpu.dma_semaphore, #tpu.memory_space<semaphore_mem>>
      %dma_start3A_131 = tpu.memref_slice %arg4[%mul3A_2] : memref<4096xf32, #tpu.memory_space<hbm>> -> memref<128xf32, #tpu.memory_space<hbm>>
      %dma_start3A_132 = tpu.memref_slice %arg4[%mul3A_2] : memref<4096xf32, #tpu.memory_space<hbm>> -> memref<128xf32, #tpu.memory_space<hbm>>
      tpu.enqueue_dma source(%arg8 : memref<128xf32, #tpu.memory_space<vmem>>) target(%dma_start3A_132 : memref<128xf32, #tpu.memory_space<hbm>>) target_semaphore(%run_scoped3A : memref<!tpu.dma_semaphore, #tpu.memory_space<semaphore_mem>>)
      %dma_wait3A_133 = tpu.memref_slice %arg4[%mul3A_2] : memref<4096xf32, #tpu.memory_space<hbm>> -> memref<128xf32, #tpu.memory_space<hbm>>
      %dma_wait3A_134 = tpu.memref_slice %arg4[%mul3A_2] : memref<4096xf32, #tpu.memory_space<hbm>> -> memref<128xf32, #tpu.memory_space<hbm>>
      tpu.wait_dma2 semaphore(%run_scoped3A : memref<!tpu.dma_semaphore, #tpu.memory_space<semaphore_mem>>) src(%arg8 : memref<128xf32, #tpu.memory_space<vmem>>) dst(%dma_wait3A_134 : memref<128xf32, #tpu.memory_space<hbm>>)
      tpu.yield
    }) : () -> ()
    "tpu.region"() ({
      %run_scoped3A = tpu.sem_alloc : memref<!tpu.dma_semaphore, #tpu.memory_space<semaphore_mem>>
      %dma_start3A_131 = tpu.memref_slice %arg5[%mul3A_2] : memref<4096xf32, #tpu.memory_space<hbm>> -> memref<128xf32, #tpu.memory_space<hbm>>
      %dma_start3A_132 = tpu.memref_slice %arg5[%mul3A_2] : memref<4096xf32, #tpu.memory_space<hbm>> -> memref<128xf32, #tpu.memory_space<hbm>>
      tpu.enqueue_dma source(%arg9 : memref<128xf32, #tpu.memory_space<vmem>>) target(%dma_start3A_132 : memref<128xf32, #tpu.memory_space<hbm>>) target_semaphore(%run_scoped3A : memref<!tpu.dma_semaphore, #tpu.memory_space<semaphore_mem>>)
      %dma_wait3A_133 = tpu.memref_slice %arg5[%mul3A_2] : memref<4096xf32, #tpu.memory_space<hbm>> -> memref<128xf32, #tpu.memory_space<hbm>>
      %dma_wait3A_134 = tpu.memref_slice %arg5[%mul3A_2] : memref<4096xf32, #tpu.memory_space<hbm>> -> memref<128xf32, #tpu.memory_space<hbm>>
      tpu.wait_dma2 semaphore(%run_scoped3A : memref<!tpu.dma_semaphore, #tpu.memory_space<semaphore_mem>>) src(%arg9 : memref<128xf32, #tpu.memory_space<vmem>>) dst(%dma_wait3A_134 : memref<128xf32, #tpu.memory_space<hbm>>)
      tpu.yield
    }) : () -> ()
    return
  }
}

module attributes {stable_mosaic.version = 14 : i64} {
  func.func @_tw_body(%arg0: i32, %arg1: memref<2x768xf32, #tpu.memory_space<vmem>>, %arg2: memref<3072x768xf32, #tpu.memory_space<vmem>>, %arg3: memref<2x1xf32, #tpu.memory_space<vmem>>, %arg4: memref<3072xi32, #tpu.memory_space<vmem>>) attributes {dimension_semantics = [#tpu.dimension_semantics<arbitrary>], iteration_bounds = array<i64: 10>, scalar_prefetch = 0 : i64, scratch_operands = 0 : i64, tpu.core_type = #tpu.core_type<tc>, window_params = [{pipeline_mode = #tpu.pipeline_mode<synchronous>, transform_indices = @transform_0, window_bounds = array<i64: 2, 768>}, {transform_indices = @transform_1, window_bounds = array<i64: 3072, 768>}, {pipeline_mode = #tpu.pipeline_mode<synchronous>, transform_indices = @transform_2, window_bounds = array<i64: 2, 1>}, {transform_indices = @transform_3, window_bounds = array<i64: 3072>}]} {
    %get3A = arith.constant 0 : index
    %get3A_0 = arith.constant 0 : index
    %get3A_1 = vector.load %arg1[%get3A, %get3A_0] : memref<2x768xf32, #tpu.memory_space<vmem>>, vector<2x768xf32>
    %get3A_2 = arith.constant 0 : index
    %get3A_3 = arith.constant 0 : index
    %get3A_4 = vector.load %arg2[%get3A_2, %get3A_3] : memref<3072x768xf32, #tpu.memory_space<vmem>>, vector<3072x768xf32>
    %dot_general3A = arith.constant dense<0.000000e+00> : vector<2x3072xf32>
    %dot_general3A_5 = tpu.matmul %get3A_1, %get3A_4, %dot_general3A {dimension_numbers = #tpu.dot_dimension_numbers<[1], [1], [0], [0], [0, 0, 1, 0], [], []>, transpose_lhs_hint = false} : vector<2x768xf32>, vector<3072x768xf32>, vector<2x3072xf32> -> vector<2x3072xf32>
    %slice3A = vector.extract_strided_slice %dot_general3A_5 {offsets = [0, 0], sizes = [1, 3072], strides = [1, 1]} : vector<2x3072xf32> to vector<1x3072xf32>
    %squeeze3A = vector.shape_cast %slice3A : vector<1x3072xf32> to vector<3072xf32>
    %convert_element_type3A = arith.truncf %squeeze3A : vector<3072xf32> to vector<3072xbf16>
    %bitcast_convert_type3A = tpu.bitcast %convert_element_type3A : vector<3072xbf16> -> vector<3072xi16>
    %convert_element_type3A_6 = arith.extui %bitcast_convert_type3A : vector<3072xi16> to vector<3072xi32>
    %slice3A_7 = vector.extract_strided_slice %dot_general3A_5 {offsets = [1, 0], sizes = [1, 3072], strides = [1, 1]} : vector<2x3072xf32> to vector<1x3072xf32>
    %squeeze3A_8 = vector.shape_cast %slice3A_7 : vector<1x3072xf32> to vector<3072xf32>
    %convert_element_type3A_9 = arith.truncf %squeeze3A_8 : vector<3072xf32> to vector<3072xbf16>
    %bitcast_convert_type3A_10 = tpu.bitcast %convert_element_type3A_9 : vector<3072xbf16> -> vector<3072xi16>
    %convert_element_type3A_11 = arith.extui %bitcast_convert_type3A_10 : vector<3072xi16> to vector<3072xi32>
    %shift_left3A = arith.constant 16 : i32
    %shift_left3A_12 = vector.broadcast %shift_left3A : i32 to vector<3072xi32>
    %shift_left3A_13 = arith.shli %convert_element_type3A_11, %shift_left3A_12 : vector<3072xi32>
    %or3A = arith.ori %convert_element_type3A_6, %shift_left3A_13 : vector<3072xi32>
    %bitcast_convert_type3A_14 = tpu.bitcast %or3A : vector<3072xi32> -> vector<3072xi32>
    %eq3A = arith.constant 9 : i32
    %eq3A_15 = arith.cmpi eq, %arg0, %eq3A : i32
    %convert_element_type3A_16 = arith.extui %eq3A_15 : i1 to i32
    %cond3A = arith.constant 0 : i32
    %cond3A_17 = arith.cmpi ne, %convert_element_type3A_16, %cond3A : i32
    scf.if %cond3A_17 {
      %iota3A = tpu.iota {dimensions = array<i32: 1>} : vector<1x3072xi32>
      %iota3A_22 = vector.shape_cast %iota3A : vector<1x3072xi32> to vector<3072xi32>
      %get3A_23 = arith.constant 0 : index
      %get3A_24 = arith.constant 0 : index
      %get3A_25 = vector.load %arg3[%get3A_23, %get3A_24] : memref<2x1xf32, #tpu.memory_space<vmem>>, vector<1x1xf32>
      %get3A_26 = vector.extract %get3A_25[0, 0] : f32 from vector<1x1xf32>
      %bitcast_convert_type3A_27 = arith.bitcast %get3A_26 : f32 to i32
      %get3A_28 = arith.constant 1 : index
      %get3A_29 = arith.constant 0 : index
      %get3A_30 = vector.load %arg3[%get3A_28, %get3A_29] : memref<2x1xf32, #tpu.memory_space<vmem>>, vector<1x1xf32>
      %get3A_31 = vector.extract %get3A_30[0, 0] : f32 from vector<1x1xf32>
      %bitcast_convert_type3A_32 = arith.bitcast %get3A_31 : f32 to i32
      %eq3A_33 = arith.constant 2880 : i32
      %eq3A_34 = vector.broadcast %eq3A_33 : i32 to vector<3072xi32>
      %eq3A_35 = arith.cmpi eq, %iota3A_22, %eq3A_34 : vector<3072xi32>
      %eq3A_36 = arith.constant 2881 : i32
      %eq3A_37 = vector.broadcast %eq3A_36 : i32 to vector<3072xi32>
      %eq3A_38 = arith.cmpi eq, %iota3A_22, %eq3A_37 : vector<3072xi32>
      %broadcast_in_dim3A = vector.broadcast %bitcast_convert_type3A_32 : i32 to vector<3072xi32>
      %select_n3A = arith.select %eq3A_38, %broadcast_in_dim3A, %bitcast_convert_type3A_14 : vector<3072xi1>, vector<3072xi32>
      %broadcast_in_dim3A_39 = vector.broadcast %bitcast_convert_type3A_27 : i32 to vector<3072xi32>
      %select_n3A_40 = arith.select %eq3A_35, %broadcast_in_dim3A_39, %select_n3A : vector<3072xi1>, vector<3072xi32>
      %swap3A = arith.constant 0 : index
      %swap3A_41 = vector.load %arg4[%swap3A] : memref<3072xi32, #tpu.memory_space<vmem>>, vector<3072xi32>
      tpu.vector_store %arg4[%swap3A], %select_n3A_40 {strides = array<i32>} : memref<3072xi32, #tpu.memory_space<vmem>>, vector<3072xi32>,
    } else {
    }
    %ne3A = arith.constant 9 : i32
    %ne3A_18 = arith.cmpi ne, %arg0, %ne3A : i32
    %convert_element_type3A_19 = arith.extui %ne3A_18 : i1 to i32
    %cond3A_20 = arith.constant 0 : i32
    %cond3A_21 = arith.cmpi ne, %convert_element_type3A_19, %cond3A_20 : i32
    scf.if %cond3A_21 {
      %swap3A = arith.constant 0 : index
      %swap3A_22 = vector.load %arg4[%swap3A] : memref<3072xi32, #tpu.memory_space<vmem>>, vector<3072xi32>
      tpu.vector_store %arg4[%swap3A], %bitcast_convert_type3A_14 {strides = array<i32>} : memref<3072xi32, #tpu.memory_space<vmem>>, vector<3072xi32>,
    } else {
    }
    return
  }
  func.func @transform_0(%arg0: i32) -> (i32, i32) {
    %c0_i32 = arith.constant 0 : i32
    %c0_i32_0 = arith.constant 0 : i32
    %c0_i32_1 = arith.constant 0 : i32
    return %c0_i32, %c0_i32_0 : i32, i32
  }
  func.func @transform_1(%arg0: i32) -> (i32, i32) {
    %c0_i32 = arith.constant 0 : i32
    %c0_i32_0 = arith.constant 0 : i32
    return %arg0, %c0_i32 : i32, i32
  }
  func.func @transform_2(%arg0: i32) -> (i32, i32) {
    %c0_i32 = arith.constant 0 : i32
    %c0_i32_0 = arith.constant 0 : i32
    %c0_i32_1 = arith.constant 0 : i32
    return %c0_i32, %c0_i32_0 : i32, i32
  }
  func.func @transform_3(%arg0: i32) -> i32 {
    %c0_i32 = arith.constant 0 : i32
    return %arg0 : i32
  }
}

</mosaic_0001>

<sc_bundles>
// kernel: kernel.4.cloned.1.call-start
scs
__scs_entry_jumppad:
0x0: {  	(pc) =	sbr.rel $0x88, $3  }
0x1: {  	(tag) =	ssettag $0x0;
	lr =	simm.s32 $0x1  }
0x2: {  	[smem:$0x3F9D] =	sst lr;
	_ =	strace $0xD0000000  }
0x3: {  	_ = 	snop  }
0x4: {  	_ = 	snop  }
0x5: {  	_ = 	snop  }
0x6: {  	_ = 	snop  }
0x7: {  	_ = 	snop  }
__scs_overlays_trampoline_lowered:
0x8: {  	[smem:$0x3FAC] =	sst s0  }
0x9: {  	[smem:$0x3FAD] =	sst s1  }
0xa: {  	[smem:$0x3FAE] =	sst s2  }
0xb: {  	[smem:$0x3FAF] =	sst s3  }
0xc: {  	[smem:$0x3FB0] =	sst s4  }
0xd: {  	[smem:$0x3FB1] =	sst s5  }
0xe: {  	[smem:$0x3FB2] =	sst s6  }
0xf: {  	[smem:$0x3FB3] =	sst s7  }
0x10: {  	[smem:$0x3FB4] =	sst s8  }
0x11: {  	[smem:$0x3FB5] =	sst s9;
	s0 =	simm.s32 @!p0 $0x0  }
0x12: {  	s1 =	sld [smem:$0x3F9B];
	s0 =	simm.s32 @p0 $0x1  }
0x13: {  	[smem:$0x3FB6] =	sst s0;
	s0 =	simm.s32 @!p1 $0x0  }
0x14: {  	s2 =	sld [smem:$0x3F9A];
	s0 =	simm.s32 @p1 $0x1  }
0x15: {  	[smem:$0x3FB7] =	sst s0;
	s0 =	simm.s32 @!p2 $0x0  }
0x16: {  	s3 =	sld [smem:$0x3FDB];
	s0 =	simm.s32 @p2 $0x1  }
0x17: {  	s4 =	simm.s32 $0x1BF5;
	[smem:$0x3FB9] =	sst s0  }
0x18: {  	s0 =	sld [smem:$0x3F9C];
	_ =	swait.ge [sflag:s4], $0x0  }
0x19: {  	s7 =	sld [smem:$0x3F9D]  }
0x1a: {  	s8 =	sadd.s32 $0xFFFFE003, lr  }
0x1b: {  	s9 =	sadd.s32 $0xFFFFFEF7, lr;
	s5 =	simm.s32 $0xFFFFFFFF;
	p2 =	slt.u32 s8, $0xFFFFF086  }
0x1c: {  	p1 =	slt.u32 s9, $0xF7A;
	s5 =	simm.s32 @!p2 $0x0  }
0x1d: {  	s5 =	simm.s32 @p1 $0x1;
	p0 =	seq.s32 s7, s2  }
0x1e: {  	s7 =	smul.u32 @!p0 $0xF7A, s2;
	p2 =	seq.s32 @!p0 s5, $0x0  }
0x1f: {  	s9 =	smul.u32 $0xF7A, s1;
	s8 =	simm.s32 @!p0 $0x1BF5;
	p2 =	por !p2, p0  }
0x20: {  	[sflag:s8] =	ssyncset.s32 @!p0 $0xFFFFF086;
	s6 =	sadd.s32 @!p0 s3, s7;
	s7 =	simm.s32 @!p0 $0x108  }
0x21: {  	s3 =	sadd.s32 s3, s9;
	s6 =	sadd.s32 @!p0 $0x88, s6;
	s7 =	simm.s32 @p2 $0x1082  }
0x22: {  	[simem:s7], [sflag:s8] =	dma.local @!p0 [hbm:s6], $0xF7A  }
0x23: {  	s9 =	sor.u32 $0xD0000000, s2;
	s6 =	simm.s32 $0x108;
	_ =	swait.ge @!p0 [sflag:s8], $0x0  }
0x24: {  	s3 =	sadd.s32 $0x88, s3;
	s6 =	simm.s32 @!p1 $0x1082;
	[sflag:s4] =	ssyncset.s32 $0xFFFFF086  }
0x25: {  	[simem:s6], [sflag:s4] =	dma.local [hbm:s3], $0xF7A  }
0x26: {  	[smem:$0x3F9D] =	sst s1;
	(tag) =	ssettag s2;
	_ =	strace s9  }
0x27: {  	s1 =	sld [smem:$0x3FAD]  }
0x28: {  	s2 =	sld [smem:$0x3FAE]  }
0x29: {  	s4 =	sld [smem:$0x3FB0]  }
0x2a: {  	p0 =	seq.s32 s5, $0x0;
	s5 =	sld [smem:$0x3FB1]  }
0x2b: {  	s6 =	sld [smem:$0x3FB2]  }
0x2c: {  	s7 =	sld [smem:$0x3FB3]  }
0x2d: {  	s3 =	simm.s32 $0x108;
	s8 =	sld [smem:$0x3FB4]  }
0x2e: {  	s3 =	simm.s32 @!p0 $0x1082;
	s9 =	sld [smem:$0x3FB5]  }
0x2f: {  	lr =	sadd.s32 s0, s3;
	s0 =	sld [smem:$0x3FAC]  }
0x30: {  	s3 =	sld [smem:$0x3FAF]  }
0x31: {  	[smem:$0x3FB8] =	sst s10  }
0x32: {  	s10 =	sld [smem:$0x3FB6];
	_ =	sdelay $0x3  }
0x33: {  	p0 =	seq.s32 s10, $0x1;
	s10 =	sld [smem:$0x3FB8];
	_ =	sdelay $0x3  }
0x34: {  	[smem:$0x3FB8] =	sst s10  }
0x35: {  	s10 =	sld [smem:$0x3FB7];
	_ =	sdelay $0x3  }
0x36: {  	p1 =	seq.s32 s10, $0x1;
	s10 =	sld [smem:$0x3FB8];
	_ =	sdelay $0x3  }
0x37: {  	[smem:$0x3FB8] =	sst s10  }
0x38: {  	s10 =	sld [smem:$0x3FB9]  }
0x39: {  	_ = 	snop;
	(pc) =	sbr.ind lr, $3  }
0x3a: {  	_ = 	snop  }
0x3b: {  	_ = 	snop  }
0x3c: {  	p2 =	seq.s32 s10, $0x1;
	s10 =	sld [smem:$0x3FB8]  }
0x3d: {  	_ =	shalt  }
0x3e: {  	_ =	shalt  }
0x3f: {  	_ =	shalt  }
0x40: {  	_ =	shalt  }
0x41: {  	_ =	shalt  }
0x42: {  	_ =	shalt  }
0x43: {  	_ =	shalt  }
0x44: {  	_ =	shalt  }
0x45: {  	_ =	shalt  }
0x46: {  	_ =	shalt  }
0x47: {  	_ =	shalt  }
0x48: {  	_ =	shalt  }
0x49: {  	_ =	shalt  }
0x4a: {  	_ =	shalt  }
0x4b: {  	_ =	shalt  }
0x4c: {  	_ =	shalt  }
0x4d: {  	_ =	shalt  }
0x4e: {  	_ =	shalt  }
0x4f: {  	_ =	shalt  }
0x50: {  	_ =	shalt  }
0x51: {  	_ =	shalt  }
0x52: {  	_ =	shalt  }
0x53: {  	_ =	shalt  }
0x54: {  	_ =	shalt  }
0x55: {  	_ =	shalt  }
0x56: {  	_ =	shalt  }
0x57: {  	_ =	shalt  }
0x58: {  	_ =	shalt  }
0x59: {  	_ =	shalt  }
0x5a: {  	_ =	shalt  }
0x5b: {  	_ =	shalt  }
0x5c: {  	_ =	shalt  }
0x5d: {  	_ =	shalt  }
0x5e: {  	_ =	shalt  }
0x5f: {  	_ =	shalt  }
0x60: {  	_ =	shalt  }
0x61: {  	_ =	shalt  }
0x62: {  	_ =	shalt  }
0x63: {  	_ =	shalt  }
0x64: {  	_ =	shalt  }
0x65: {  	_ =	shalt  }
0x66: {  	_ =	shalt  }
0x67: {  	_ =	shalt  }
0x68: {  	_ =	shalt  }
0x69: {  	_ =	shalt  }
0x6a: {  	_ =	shalt  }
0x6b: {  	_ =	shalt  }
0x6c: {  	_ =	shalt  }
0x6d: {  	_ =	shalt  }
0x6e: {  	_ =	shalt  }
0x6f: {  	_ =	shalt  }
0x70: {  	_ =	shalt  }
0x71: {  	_ =	shalt  }
0x72: {  	_ =	shalt  }
0x73: {  	_ =	shalt  }
0x74: {  	_ =	shalt  }
0x75: {  	_ =	shalt  }
0x76: {  	_ =	shalt  }
0x77: {  	_ =	shalt  }
0x78: {  	_ =	shalt  }
0x79: {  	_ =	shalt  }
0x7a: {  	_ =	shalt  }
0x7b: {  	_ =	shalt  }
0x7c: {  	_ =	shalt  }
0x7d: {  	_ =	shalt  }
0x7e: {  	_ =	shalt  }
0x7f: {  	_ =	shalt  }
0x80: {  	_ =	shalt  }
0x81: {  	_ =	shalt  }
0x82: {  	_ =	shalt  }
0x83: {  	_ =	shalt  }
0x84: {  	_ =	shalt  }
0x85: {  	_ =	shalt  }
0x86: {  	_ =	shalt  }
0x87: {  	_ =	shalt  }
.Lfunc_end0:
.L_simem_size_0:
called_computation_lowered:
.L_overlay_start_0:
0x88: {  	s2 =	sld [smem:$0x3FD9]  }
0x89: {  	s3 =	sld [smem:$0x3FFE];
	_ =	sdelay $0x1  }
0x8a: {  	s1 =	srdreg.scid  }
0x8b: {  	s0 =	sand.u32 $0x1, s1  }
0x8c: {  	s17 =	sshll.u32 s0, $0xA;
	s2 =	sadd.s32 s3, s2  }
0x8d: {  	s2 =	sadd.s32 s2, s17  }
0x8e: {  	[smem:$0x3FC4] =	sst s2  }
0x8f: {  	_ = 	snop  }
0x90: {  	s2 =	sld [smem:$0x3FC9];
	(tm) =	ssettm $0x1  }
0x91: {  	s18 =	sld [smem:$0x3FFB];
	_ =	sdelay $0x3  }
0x92: {  	_ =	strace s18  }
0x93: {  	s3 =	sld [smem:$0x3FFC];
	_ =	sdelay $0x3  }
0x94: {  	_ =	strace s3  }
0x95: {  	s3 =	sld [smem:$0x3FFD];
	_ =	sdelay $0x3  }
0x96: {  	_ =	strace s3  }
0x97: {  	_ =	strace $0x8FFFFFFF  }
0x98: {  	s19 =	sld [smem:$0x3FDB];
	_ =	sdelay $0x1  }
0x99: {  	s4 =	simm.s32 $_scs_section_size  }
0x9a: {  	s5 =	simm.s32 $_size__tile_overlayer_lowered;
	s6 =	simm.s32 $_tile_overlayer_lowered  }
0x9b: {  	s22 =	simm.s32 $0x1BFF;
	s21 =	sshll.u32 s6, $0x1;
	s3 =	sadd.s32 s4, s19  }
0x9c: {  	s7 =	simm.s32 $0x0;
	s20 =	sshll.u32 s5, $0x1;
	s5 =	sadd.s32 s21, s3  }
0x9d: {  	[timem:s7], [sflag:s22] =	dma.local [hbm:s5], s20  }
0x9e: {  	_ =	swait.ge [sflag:s22], s20  }
0x9f: {  	s4 =	ssub.s32 $0x0, s20;
	[sflag:s22] =	ssyncset.done $0x0  }
0xa0: {  	[sflag:s22] =	ssyncadd.s32 s4;
	_ =	sdelay $0x1  }
0xa1: {  	s23 =	simm.s32 $0x1B8B  }
0xa2: {  	_ =	swait.ge [sflag:s23], $0x1  }
0xa3: {  	[sflag:s23] =	ssyncset.done $0x0  }
0xa4: {  	s25 =	simm.s32 $0x1B8E;
	s24 =	sld [smem:$0x3FFE];
	[sflag:s23] =	ssyncadd.s32 $0xFFFFFFFF  }
0xa5: {  	s26 =	simm.s32 $execute0_lowered;
	[smem:$0x3FD2] =	sst s25  }
0xa6: {  	s5 =	sshll.u32 s26, $0x1;
	_ =	strace $0x80000046;
	[dreg:$0x1] =	wrdreg $0xFFFFFFFF  }
0xa7: {  	s28 =	simm.s32 $_size_execute0_lowered;
	s3 =	sadd.s32 s3, s5;
	[dreg:$0x0] =	wrdreg $0x0  }
0xa8: {  	s5 =	sshll.u32 s28, $0x1;
	[dreg:$0x2] =	wrdreg s3  }
0xa9: {  	[dreg:$0x3] =	wrdreg s5  }
0xaa: {  	[dreg:$0x4] =	wrdreg $0xC0  }
0xab: {  	_ =	task [dreg:s7], $0x5FFFF  }
0xac: {  	[dreg:$0x1] =	wrdreg $0xFFFFFFFF  }
0xad: {  	[dreg:$0x0] =	wrdreg $0x60  }
0xae: {  	[dreg:$0x2] =	wrdreg s24  }
0xaf: {  	[dreg:$0x3] =	wrdreg s2  }
0xb0: {  	[dreg:$0x4] =	wrdreg $0xDD000  }
0xb1: {  	[dreg:$0x5] =	wrdreg $0x9  }
0xb2: {  	_ =	task.clear_ibuf [dreg:s7], $0x6FFFF;
	_ =	strace $0x90000046  }
0xb3: {  	s29 =	simm.s32 $0x9;
	_ =	strace $0x80000048  }
0xb4: {  	_ =	swait.ge [sflag:s29], $0x1  }
0xb5: {  	[sflag:s29] =	ssyncadd.s32 $0xFFFFFFFF  }
0xb6: {  	_ =	strace $0x90000048  }
0xb7: {  	_ =	sfence  }
0xb8: {  	s30 =	sld [smem:$0x0];
	_ =	sdelay $0x2  }
0xb9: {  	s31 =	sshll.u32 s1, $0xD;
	s1 =	sshrl.u32 s1, $0x2  }
0xba: {  	s3 =	sand.u32 $0x4000, s31;
	s1 =	sadd.s32 s1, s30  }
0xbb: {  	s0 =	sor.u32 s3, s0;
	s1 =	sshll.u32 s1, $0x11  }
0xbc: {  	s0 =	sor.u32 s1, s0  }
0xbd: {  	s0 =	sadd.s32 $0x8F2B, s0  }
0xbe: {  	[sflag:s0] =	ssyncadd.remote.s32 $0x1  }
0xbf: {  	_ =	sfence.sel $0xFFFF  }
0xc0: {  	[dreg:$0x0] =	wrdreg $0xFFFFFFFF;
	(pc) =	sbr.abs _section_cstart, $3  }
0xc1: {  	[dreg:$0x1] =	wrdreg $0xFFFFFFFF  }
0xc2: {  	_ =	task.clear_ibuf [dreg:s7], $0x2FFFF;
	_ =	strace $0x9FFFFFFF  }
0xc3: {  	(tm) =	ssettm $0x7FFFFFFF  }
tec
execute0_lowered:
.L_overlay_start_1:
0x0: {  	(tag) =	ssettag $0x1  }
0x1: {  	s4 =	rddreg [dreg:$0x0]  }
0x2: {  	s5 =	rddreg [dreg:$0x1]  }
0x3: {  	s1 =	rddreg [dreg:$0x2]  }
0x4: {  	s0 =	rddreg [dreg:$0x3]  }
0x5: {  	s2 =	simm.s32 $0x0;
	s3 =	srdreg.scid;
	s8 =	stileid.u32  }
0x6: {  	s12 =	simm.s32 $0x1;
	s13 =	simm.s32 $0x2;
	s14 =	simm.s32 $0xDC00  }
0x7: {  	s15 =	simm.s32 $0x3;
	s16 =	simm.s32 $0xDC80;
	s17 =	simm.s32 $0x0  }
0x8: {  	[smem:$0x7FF] =	sst s2;
	s3 =	sand.u32 $0x1, s3;
	s6 =	sshll.u32 s8, $0x1  }
0x9: {  	p0 =	sne.s32 s8, $0x0;
	s8 =	simm.s32 $0x400;
	_ =	strace $0x80000047  }
0xa: {  	s6 =	sor.u32 s3, s6;
	s7 =	ssub.s32 $0x2, s3;
	s3 =	sadd.s32 $0xC00, s4  }
0xb: {  	s11 =	sshrl.u32 @!p0 s1, $0x3;
	s9 =	sshll.u32 s6, $0x4;
	s10 =	sshrl.u32 s7, $0x1  }
0xc: {  	s31 =	sshll.u32 s6, $0x7;
	s9 =	sadd.s32 s9, s4;
	s7 =	ssub.s32 s7, s10  }
0xd: {  	s4 =	sadd.s32 s5, s31;
	s10 =	simm.s32 $0x7800;
	s5 =	sadd.s32 $0x1C00, s9  }
0xe: {  	s6 =	sadd.s32 $0x1E00, s9;
	s7 =	smax.u32 s7, $0x1;
	s9 =	simm.s32 $0x8000  }
.LBB2_1:
0xf: {  	[tilespmem:s10], [sflag:$0x2] =	stream.strided.gather [hbm4b:s4+s8], $0x6400, s9, s8, $0x38;
	[tilespmem:$0xE480] =	vst v63  }
0x10: {  	s18 =	simm.s32 @!p0 $0x1C03  }
0x11: {  	[spmem:s11], [sflag:s18] =	dma.local @!p0 [hbm:s3], $0xF00  }
0x12: {  	s18 =	simm.s32 @!p0 $0x3  }
0x13: {  	_ =	swait.ge @!p0 [sflag:s18], $0xF00  }
0x14: {  	[sflag:s18] =	ssyncset.done @!p0 $0x0  }
0x15: {  	[sflag:s18] =	ssyncadd.s32 @!p0 $0xFFFFF100  }
0x16: {  	[bflag:$0x0] =	sbarrier.arrive $0xFFFF  }
0x17: {  	[tilespmem:s2], [sflag:$0x1] =	stream.linear.gather [spmem:s1], $0x7800, $0x38;
	[tilespmem:$0xE480] =	vst v63  }
0x18: {  	_ =	swait.ge [sflag:s12], $0x7800  }
0x19: {  	[sflag:s12] =	ssyncset.done $0x0  }
0x1a: {  	[sflag:s12] =	ssyncadd.s32 $0xFFFF8800  }
0x1b: {  	_ =	swait.ge [sflag:s13], $0x6400  }
0x1c: {  	[sflag:s13] =	ssyncset.done $0x0  }
0x1d: {  	s31 =	simm.s32 $0x7880;
	[sflag:s13] =	ssyncadd.s32 $0xFFFF9C00  }
0x1e: {  	v0 =	vld [tilespmem:s31+$0x0]  }
0x1f: {  	v1 =	vld [tilespmem:s31+$0x10]  }
0x20: {  	v2 =	vld [tilespmem:s31+$0x20]  }
0x21: {  	v3 =	vld [tilespmem:s31+$0x30]  }
0x22: {  	v4 =	vld [tilespmem:s31+$0x40]  }
0x23: {  	v5 =	vld [tilespmem:s31+$0x50]  }
0x24: {  	v6 =	vld [tilespmem:s31+$0x60]  }
0x25: {  	v7 =	vld [tilespmem:s31+$0xFFFFFF80]  }
0x26: {  	v8 =	vld [tilespmem:s31+$0xFFFFFF90]  }
0x27: {  	v9 =	vld [tilespmem:s31+$0xFFFFFFA0]  }
0x28: {  	v10 =	vld [tilespmem:s31+$0xFFFFFFB0]  }
0x29: {  	v0 =	vld.idx.msk [tilespmem:v0+s2+$0x0], $0xffff  }
0x2a: {  	v1 =	vld.idx.msk [tilespmem:v1+s2+$0x0], $0xffff  }
0x2b: {  	v2 =	vld.idx.msk [tilespmem:v2+s2+$0x0], $0xffff  }
0x2c: {  	v3 =	vld.idx.msk [tilespmem:v3+s2+$0x0], $0xffff  }
0x2d: {  	v4 =	vld.idx.msk [tilespmem:v4+s2+$0x0], $0xffff  }
0x2e: {  	v5 =	vld.idx.msk [tilespmem:v5+s2+$0x0], $0xffff  }
0x2f: {  	v11 =	vld.idx.msk [tilespmem:v6+s2+$0x0], $0xffff  }
0x30: {  	v7 =	vld.idx.msk [tilespmem:v7+s2+$0x0], $0xffff  }
0x31: {  	v16 =	vimm.f32 $0.0e+00;
	v17 =	vimm.f32 $0.0e+00;
	v18 =	vimm.f32 $0.0e+00;
	v34 =	vld.idx.msk [tilespmem:v8+s2+$0x0], $0xffff  }
0x32: {  	v12 =	vimm.f32 $0.0e+00;
	v13 =	vimm.f32 $0.0e+00;
	v14 =	vimm.f32 $0.0e+00;
	v36 =	vld.idx.msk [tilespmem:v9+s2+$0x0], $0xffff  }
0x33: {  	v6 =	vimm.f32 $0.0e+00;
	v27 =	vunpack.i.u.bf16.f32 v1;
	v30 =	vunpack.i.l.bf16.f32 v1;
	v1 =	vld [tilespmem:s31+$0xFFFFFFC0]  }
0x34: {  	v35 =	vld.idx.msk [tilespmem:v10+s2+$0x0], $0xffff;
	v8 =	vimm.f32 $0.0e+00;
	v9 =	vimm.f32 $0.0e+00;
	v10 =	vimm.f32 $0.0e+00  }
0x35: {  	v28 =	vld [tilespmem:s31+$0xFFFFFFD0];
	v29 =	vunpack.i.u.bf16.f32 v0;
	v31 =	vunpack.i.l.bf16.f32 v0;
	v23 =	vunpack.i.u.bf16.f32 v2  }
0x36: {  	v25 =	vunpack.i.l.bf16.f32 v2;
	v22 =	vunpack.i.u.bf16.f32 v3;
	v24 =	vunpack.i.l.bf16.f32 v3  }
0x37: {  	v33 =	vld [tilespmem:s31+$0xFFFFFFE0];
	v19 =	vunpack.i.u.bf16.f32 v4;
	v21 =	vunpack.i.l.bf16.f32 v4;
	v15 =	vunpack.i.u.bf16.f32 v5  }
0x38: {  	v20 =	vunpack.i.l.bf16.f32 v5;
	v0 =	vunpack.i.u.bf16.f32 v11;
	v3 =	vunpack.i.l.bf16.f32 v11  }
0x39: {  	v32 =	vld [tilespmem:s31+$0xFFFFFFF0];
	v39 =	vunpack.i.u.bf16.f32 v7;
	v40 =	vunpack.i.l.bf16.f32 v7;
	v38 =	vunpack.i.u.bf16.f32 v34  }
0x3a: {  	v26 =	vld [tilespmem:s31+$0x70];
	v11 =	vimm.f32 $0.0e+00;
	v7 =	vimm.f32 $0.0e+00;
	v4 =	vimm.f32 $0.0e+00  }
0x3b: {  	s19 =	simm.s32 $0x7980;
	s18 =	simm.s32 $0x0;
	v5 =	vimm.f32 $0.0e+00;
	v2 =	vimm.f32 $0.0e+00;
	v37 =	vld.idx.msk [tilespmem:v1+s2+$0x0], $0xffff;
	v1 =	vimm.f32 $0.0e+00  }
.LBB2_2:
0x3c: {  	v41 =	vld [tilespmem:s19+$0x0];
	v6 =	vadd.f32 v40, v6;
	v16 =	vadd.f32 v39, v16;
	v34 =	vunpack.i.l.bf16.f32 v34  }
0x3d: {  	v18 =	vadd.f32 v38, v18;
	v17 =	vadd.f32 v34, v17;
	v34 =	vunpack.i.u.bf16.f32 v36;
	v28 =	vld.idx.msk [tilespmem:v28+s2+$0x0], $0xffff  }
0x3e: {  	v36 =	vunpack.i.l.bf16.f32 v36;
	v38 =	vld [tilespmem:s19+$0x10];
	v6 =	vadd.f32 v31, v6;
	v16 =	vadd.f32 v29, v16  }
0x3f: {  	v29 =	vunpack.i.u.bf16.f32 v35;
	v18 =	vadd.f32 v27, v18;
	v31 =	vld.idx.msk [tilespmem:v33+s2+$0x0], $0xffff;
	v17 =	vadd.f32 v30, v17  }
0x40: {  	v12 =	vadd.f32 v36, v12;
	v13 =	vadd.f32 v34, v13;
	v30 =	vunpack.i.l.bf16.f32 v35;
	v27 =	vld [tilespmem:s19+$0x20]  }
0x41: {  	v14 =	vadd.f32 v29, v14;
	v11 =	vadd.f32 v30, v11;
	v29 =	vunpack.i.u.bf16.f32 v37;
	v30 =	vld.idx.msk [tilespmem:v32+s2+$0x0], $0xffff  }
0x42: {  	v33 =	vunpack.i.l.bf16.f32 v37;
	v12 =	vadd.f32 v25, v12;
	v13 =	vadd.f32 v23, v13;
	v32 =	vld [tilespmem:s19+$0x30]  }
0x43: {  	v14 =	vadd.f32 v22, v14;
	v23 =	vunpack.i.u.bf16.f32 v28;
	v11 =	vadd.f32 v24, v11;
	v22 =	vld.idx.msk [tilespmem:v26+s2+$0x0], $0xffff  }
0x44: {  	v7 =	vadd.f32 v33, v7;
	v8 =	vadd.f32 v29, v8;
	v25 =	vunpack.i.l.bf16.f32 v28;
	v24 =	vld [tilespmem:s19+$0x40]  }
0x45: {  	v9 =	vadd.f32 v25, v9;
	v10 =	vadd.f32 v23, v10;
	v23 =	vunpack.i.u.bf16.f32 v31;
	v26 =	vld [tilespmem:s19+$0x50]  }
0x46: {  	v7 =	vadd.f32 v21, v7;
	v8 =	vadd.f32 v19, v8;
	v28 =	vunpack.i.l.bf16.f32 v31;
	v25 =	vld [tilespmem:s19+$0x60]  }
0x47: {  	v9 =	vadd.f32 v20, v9;
	v10 =	vadd.f32 v15, v10;
	v21 =	vunpack.i.u.bf16.f32 v30;
	v19 =	vld [tilespmem:s19+$0xFFFFFF80]  }
0x48: {  	v4 =	vadd.f32 v28, v4;
	v5 =	vadd.f32 v23, v5;
	v20 =	vunpack.i.l.bf16.f32 v30;
	v15 =	vld [tilespmem:s19+$0xFFFFFF90]  }
0x49: {  	v2 =	vadd.f32 v20, v2;
	v1 =	vadd.f32 v21, v1;
	v20 =	vunpack.i.u.bf16.f32 v22;
	v23 =	vld [tilespmem:s19+$0xFFFFFFA0]  }
0x4a: {  	v4 =	vadd.f32 v3, v4;
	v5 =	vadd.f32 v0, v5;
	v0 =	vunpack.i.l.bf16.f32 v22;
	v21 =	vld [tilespmem:s19+$0xFFFFFFB0]  }
0x4b: {  	v2 =	vadd.f32 v0, v2;
	v1 =	vadd.f32 v20, v1;
	v37 =	vld [tilespmem:s19+$0xFFFFFFC0]  }
0x4c: {  	v28 =	vld [tilespmem:s19+$0xFFFFFFD0]  }
0x4d: {  	v0 =	vld.idx.msk [tilespmem:v41+s2+$0x0], $0xffff  }
0x4e: {  	v3 =	vld.idx.msk [tilespmem:v38+s2+$0x0], $0xffff  }
0x4f: {  	v20 =	vld.idx.msk [tilespmem:v27+s2+$0x0], $0xffff  }
0x50: {  	v35 =	vld.idx.msk [tilespmem:v32+s2+$0x0], $0xffff  }
0x51: {  	v38 =	vld.idx.msk [tilespmem:v24+s2+$0x0], $0xffff  }
0x52: {  	v26 =	vld.idx.msk [tilespmem:v26+s2+$0x0], $0xffff  }
0x53: {  	v39 =	vld.idx.msk [tilespmem:v25+s2+$0x0], $0xffff  }
0x54: {  	v40 =	vld.idx.msk [tilespmem:v19+s2+$0x0], $0xffff  }
0x55: {  	s18 =	sadd.s32 $0x2, s18;
	v34 =	vld.idx.msk [tilespmem:v15+s2+$0x0], $0xffff  }
0x56: {  	p1 =	slt.u32 s18, $0xC6;
	v29 =	vunpack.i.u.bf16.f32 v0;
	v31 =	vunpack.i.l.bf16.f32 v0;
	v33 =	vld [tilespmem:s19+$0xFFFFFFE0]  }
.Ltmp0:
0x57: {  	v27 =	vunpack.i.u.bf16.f32 v3;
	v30 =	vunpack.i.l.bf16.f32 v3;
	v36 =	vld.idx.msk [tilespmem:v23+s2+$0x0], $0xffff;
	v23 =	vunpack.i.u.bf16.f32 v20;
	(pc) =	sbr.rel @p1 .LBB2_2-.Ltmp0, $4  }
0x58: {  	v25 =	vunpack.i.l.bf16.f32 v20;
	v22 =	vunpack.i.u.bf16.f32 v35;
	v24 =	vunpack.i.l.bf16.f32 v35;
	v32 =	vld [tilespmem:s19+$0xFFFFFFF0]  }
0x59: {  	v19 =	vunpack.i.u.bf16.f32 v38;
	v15 =	vunpack.i.u.bf16.f32 v26;
	v35 =	vld.idx.msk [tilespmem:v21+s2+$0x0], $0xffff;
	v21 =	vunpack.i.l.bf16.f32 v38  }
0x5a: {  	v20 =	vunpack.i.l.bf16.f32 v26;
	v0 =	vunpack.i.u.bf16.f32 v39;
	v3 =	vunpack.i.l.bf16.f32 v39;
	v26 =	vld [tilespmem:s19+$0x70]  }
0x5b: {  	v39 =	vunpack.i.u.bf16.f32 v40;
	v40 =	vunpack.i.l.bf16.f32 v40;
	v38 =	vunpack.i.u.bf16.f32 v34;
	s19 =	sadd.s32 $0x100, s19;
	v37 =	vld.idx.msk [tilespmem:v37+s2+$0x0], $0xffff  }
0x5c: {  	_ = 	snop  }
0x5d: {  	v6 =	vadd.f32 v40, v6;
	v16 =	vadd.f32 v39, v16  }
0x5e: {  	v34 =	vunpack.i.l.bf16.f32 v34;
	v18 =	vadd.f32 v38, v18;
	v61 =	vunpack.i.l.bf16.f32 v36  }
0x5f: {  	v60 =	vunpack.i.u.bf16.f32 v36;
	v17 =	vadd.f32 v34, v17;
	v12 =	vadd.f32 v61, v12  }
0x60: {  	v28 =	vld.idx.msk [tilespmem:v28+s2+$0x0], $0xffff;
	v13 =	vadd.f32 v60, v13;
	v6 =	vadd.f32 v31, v6  }
0x61: {  	v63 =	vld.idx.msk [tilespmem:v33+s2+$0x0], $0xffff;
	v16 =	vadd.f32 v29, v16;
	v18 =	vadd.f32 v27, v18;
	v33 =	vunpack.i.l.bf16.f32 v35  }
0x62: {  	v62 =	vunpack.i.u.bf16.f32 v35;
	v17 =	vadd.f32 v30, v17;
	v11 =	vadd.f32 v33, v11  }
0x63: {  	v14 =	vadd.f32 v62, v14;
	v12 =	vadd.f32 v25, v12  }
0x64: {  	v34 =	vunpack.i.u.bf16.f32 v37;
	v36 =	vunpack.i.l.bf16.f32 v37;
	v37 =	vld [tilespmem:$0x7740];
	v6 =	vmul.f32 $4.999999890e-03, v6  }
0x65: {  	v13 =	vadd.f32 v23, v13;
	v16 =	vmul.f32 $4.999999890e-03, v16;
	v18 =	vmul.f32 $4.999999890e-03, v18  }
0x66: {  	v38 =	vunpack.i.u.bf16.f32 v28;
	v11 =	vadd.f32 v24, v11;
	v14 =	vadd.f32 v22, v14  }
0x67: {  	v7 =	vadd.f32 v36, v7;
	v8 =	vadd.f32 v34, v8;
	v39 =	vunpack.i.l.bf16.f32 v28  }
0x68: {  	v35 =	vld.idx.msk [tilespmem:v32+s2+$0x0], $0xffff;
	v40 =	vunpack.i.u.bf16.f32 v63;
	v41 =	vunpack.i.l.bf16.f32 v63;
	v45 =	vmul.f32 $4.999999890e-03, v17  }
0x69: {  	v9 =	vadd.f32 v39, v9;
	v10 =	vadd.f32 v38, v10;
	v43 =	vbroadcast v37, $0x0  }
0x6a: {  	v4 =	vadd.f32 v41, v4;
	v5 =	vadd.f32 v40, v5;
	v44 =	vbroadcast v37, $0x1  }
0x6b: {  	v12 =	vmul.f32 $4.999999890e-03, v12;
	v7 =	vadd.f32 v21, v7;
	v6 =	vadd.f32 v43, v6  }
0x6c: {  	v46 =	vld.idx.msk [tilespmem:v26+s2+$0x0], $0xffff;
	v13 =	vmul.f32 $4.999999890e-03, v13;
	v8 =	vadd.f32 v19, v8;
	v16 =	vadd.f32 v44, v16  }
0x6d: {  	v42 =	vunpack.i.u.bf16.f32 v35;
	v9 =	vadd.f32 v20, v9;
	v47 =	vadd.f32 v43, v45;
	[tilespmem:$0xDC00] =	vst v6  }
0x6e: {  	v48 =	vunpack.i.l.bf16.f32 v35;
	v10 =	vadd.f32 v15, v10;
	v49 =	vadd.f32 v44, v18;
	[tilespmem:$0xDC80] =	vst v16  }
0x6f: {  	v11 =	vmul.f32 $4.999999890e-03, v11;
	v2 =	vadd.f32 v48, v2;
	v50 =	vadd.f32 v43, v12;
	[tilespmem:$0xDC10] =	vst v47  }
0x70: {  	v52 =	vmul.f32 $4.999999890e-03, v14;
	v1 =	vadd.f32 v42, v1;
	v51 =	vadd.f32 v44, v13;
	[tilespmem:$0xDC90] =	vst v49  }
0x71: {  	v53 =	vunpack.i.u.bf16.f32 v46;
	v7 =	vmul.f32 $4.999999890e-03, v7;
	v54 =	vadd.f32 v43, v11;
	[tilespmem:$0xDC20] =	vst v50  }
0x72: {  	v3 =	vadd.f32 v3, v4;
	v8 =	vmul.f32 $4.999999890e-03, v8;
	v55 =	vadd.f32 v44, v52;
	[tilespmem:$0xDCA0] =	vst v51  }
0x73: {  	v0 =	vadd.f32 v0, v5;
	v57 =	vmul.f32 $4.999999890e-03, v9;
	v56 =	vadd.f32 v43, v7;
	[tilespmem:$0xDC30] =	vst v54  }
0x74: {  	v58 =	vunpack.i.l.bf16.f32 v46;
	v60 =	vmul.f32 $4.999999890e-03, v10;
	v59 =	vadd.f32 v44, v8;
	[tilespmem:$0xDCB0] =	vst v55  }
0x75: {  	v2 =	vadd.f32 v58, v2;
	v3 =	vmul.f32 $4.999999890e-03, v3;
	v61 =	vadd.f32 v43, v57;
	[tilespmem:$0xDC40] =	vst v56  }
0x76: {  	v1 =	vadd.f32 v53, v1;
	v0 =	vmul.f32 $4.999999890e-03, v0;
	v62 =	vadd.f32 v44, v60;
	[tilespmem:$0xDCC0] =	vst v59  }
0x77: {  	v3 =	vadd.f32 v43, v3;
	v2 =	vmul.f32 $4.999999890e-03, v2;
	[tilespmem:$0xDC50] =	vst v61  }
0x78: {  	v0 =	vadd.f32 v44, v0;
	v1 =	vmul.f32 $4.999999890e-03, v1;
	[tilespmem:$0xDCD0] =	vst v62  }
0x79: {  	[tilespmem:$0xDC60] =	vst v3;
	v2 =	vadd.f32 v43, v2  }
0x7a: {  	[tilespmem:$0xDCE0] =	vst v0;
	v63 =	vadd.f32 v44, v1  }
0x7b: {  	[tilespmem:$0xDC70] =	vst v2  }
0x7c: {  	[tilespmem:$0xDCF0] =	vst v63  }
0x7d: {  	[hbm4b:s5+s2] =	stream.linear.scatter [tilespmem:s14], [sflag:$0x3], $0x80, $0x38;
	[tilespmem:$0xE480] =	vst v63  }
0x7e: {  	s17 =	sadd.s32 $0x1, s17;
	_ =	swait.ge [sflag:s15], $0x80  }
0x7f: {  	p1 =	sne.s32 s17, s7;
	[sflag:s15] =	ssyncset.done $0x0  }
.Ltmp1:
0x80: {  	[sflag:s15] =	ssyncadd.s32 $0xFFFFFF80;
	(pc) =	sbr.rel @p1 .LBB2_1-.Ltmp1, $4  }
0x81: {  	[hbm4b:s6+s2] =	stream.linear.scatter [tilespmem:s16], [sflag:$0x3], $0x80, $0x38;
	[tilespmem:$0xE480] =	vst v63  }
0x82: {  	_ =	swait.ge [sflag:s15], $0x80  }
0x83: {  	[sflag:s15] =	ssyncset.done $0x0  }
0x84: {  	[sflag:s15] =	ssyncadd.s32 $0xFFFFFF80  }
0x85: {  	_ =	sfence.sel $0x180000  }
0x86: {  	[bflag:$0x0] =	sbarrier.arrive $0xFFFF  }
0x87: {  	_ =	strace $0x90000047  }
0x88: {  	s0 =	sadd.s32 @!p0 $0x100000, s0;
	[bflag:$0x2] =	sbarrier.arrive $0xFFFF  }
0x89: {  	[sflag:s0] =	ssyncadd.tile.s32 @!p0 $0x1;
	_ =	shalt  }
.Lfunc_end2:
_tile_overlayer_lowered:
.L_overlay_start_2:
0x8a: {  	(tag) =	ssettag $0x2  }
0x8b: {  	s0 =	rddreg [dreg:$0x0];
	s2 =	stileid.u32  }
0x8c: {  	s1 =	rddreg [dreg:$0x1];
	p0 =	sne.s32 s2, $0x0  }
0x8d: {  	s3 =	rddreg [dreg:$0x2];
	[bflag:$0x3] =	sbarrier.arrive $0xFFFF;
	s2 =	simm.s32 @!p0 $0x1C03  }
0x8e: {  	[timem:s3], [sflag:s2] =	dma.local @!p0 [hbm:s0], s1  }
0x8f: {  	s0 =	simm.s32 @!p0 $0x3  }
0x90: {  	_ =	swait.ge @!p0 [sflag:s0], s1  }
0x91: {  	s1 =	ssub.s32 @!p0 $0x0, s1;
	[sflag:s0] =	ssyncset.done @!p0 $0x0  }
0x92: {  	[sflag:s0] =	ssyncadd.s32 @!p0 s1  }
0x93: {  	[bflag:$0x3] =	sbarrier.arrive $0xFFFF  }
0x94: {  	_ =	shalt  }

</sc_bundles>
